<compile_context>
chip_gen: v7x
topology: tpu7x:2x2x1
jax: 0.10.2.dev20260603
libtpu: 0.0.44.dev20260713+nightly
codegen_flags: <defaults>
</compile_context>

<pallas_src>
import jax
import jax.numpy as jnp
from jax import lax
from jax.experimental import pallas as pl
from jax.experimental.pallas import tpu as pltpu
from jax.experimental.pallas import tpu_sc as plsc

NC = 2
NS = 16
NW = NC * NS
L = 16

_B, _S, _D = 1024, 200, 64
_DP = 2 * _D
_ROWS_W = _B // NW


def _make_kernel():
    mesh = plsc.VectorSubcoreMesh(
        core_axis_name="c", subcore_axis_name="s",
        num_cores=NC, num_subcores=NS)

    @pl.kernel(
        out_type=jax.ShapeDtypeStruct((_B, _S, _D), jnp.float32),
        mesh=mesh,
        compiler_params=pltpu.CompilerParams(use_tc_tiling_on_sc=True),
        scratch_types=[
            pltpu.VMEM((2 * _S,), jnp.int32),
            pltpu.VMEM((_S, _D), jnp.float32),
            pltpu.VMEM((2, _S, _DP), jnp.float32),
            pltpu.VMEM((2, _S, _D), jnp.float32),
            pltpu.SemaphoreType.DMA,
            pltpu.SemaphoreType.DMA,
            pltpu.SemaphoreType.DMA,
        ],
    )
    def k(x_hbm, table_hbm, pe_hbm, out_hbm, idx_v, pe_v, rows_v, sum_v,
          isem, gsem, psem):
        wid = lax.axis_index("s") * NC + lax.axis_index("c")
        base = wid * _ROWS_W
        pltpu.sync_copy(pe_hbm.at[pl.ds(0, _S)], pe_v)

        def idx_copy(kk, p):
            pltpu.async_copy(
                x_hbm.at[pl.ds((base + kk) * _S, _S)],
                idx_v.at[pl.ds(p * _S, _S)], isem)

        def chunk_body(kk, carry):
            p = kk % 2
            pltpu.make_async_copy(
                table_hbm.at[idx_v.at[pl.ds(0, _S)]], rows_v.at[p], gsem).wait()

            @pl.when(kk + 1 < _ROWS_W)
            def _():
                pltpu.make_async_copy(
                    x_hbm.at[pl.ds(0, _S)], idx_v.at[pl.ds(0, _S)], isem).wait()
                pltpu.async_copy(
                    table_hbm.at[idx_v.at[pl.ds((1 - p) * _S, _S)]],
                    rows_v.at[1 - p], gsem)

            @pl.when(kk + 2 < _ROWS_W)
            def _():
                idx_copy(kk + 2, p)

            @pl.when(kk >= 2)
            def _():
                pltpu.make_async_copy(
                    sum_v.at[0], out_hbm.at[base], psem).wait()

            rp = rows_v.at[p]
            sp = sum_v.at[p]

            @plsc.parallel_loop(0, _S, unroll=8)
            def row_body(r):
                for c in range(_D // L):
                    sl = pl.ds(c * L, L)
                    sp[r, sl] = rp[r, sl] + pe_v[r, sl]
            pltpu.async_copy(sp, out_hbm.at[base + kk], psem)
            return carry

        pltpu.sync_copy(x_hbm.at[pl.ds(base * _S, _S)], idx_v.at[pl.ds(0, _S)])
        pltpu.async_copy(
            table_hbm.at[idx_v.at[pl.ds(0, _S)]], rows_v.at[0], gsem)
        idx_copy(1, 1)
        lax.fori_loop(0, _ROWS_W, chunk_body, 0)
        for _ in range(2):
            pltpu.make_async_copy(sum_v.at[0], out_hbm.at[base], psem).wait()

    return k


_kernel_call = _make_kernel()


def kernel(x, token_table, pe):
    tab128 = jnp.pad(token_table, ((0, 0), (0, _D)))
    return _kernel_call(x.reshape(-1), tab128, pe)

# --- scband reference (transcript-rebuilt; emitter-appended) ---
"""Pipeline reference for scband-gpt2-embedding-38027640439460 (READ-ONLY COPY).

The authoritative reference and input builder live on the scoring server;
editing this copy changes nothing except your own understanding.
"""

import jax, jax.numpy as jnp
import numpy as np

VOCAB = 1000000
EMBED = 64
MAX_LEN = 256
BATCH = 1024
SEQ = 200


def make_positional_encoding(max_len, d_model):
    # Standard sinusoidal positional encoding (GPT2Embedding's PositionalEncoding buffer)
    position = np.arange(max_len, dtype=np.float32)[:, None]
    div_term = np.exp(np.arange(0, d_model, 2, dtype=np.float32) * (-np.log(10000.0) / d_model))
    pe = np.zeros((max_len, d_model), dtype=np.float32)
    pe[:, 0::2] = np.sin(position * div_term)
    pe[:, 1::2] = np.cos(position * div_term)
    return jnp.asarray(pe)


def setup_inputs(seed: int = 0) -> dict:
    key = jax.random.key(seed)
    k_idx, k_tab = jax.random.split(key)
    x = jax.random.randint(k_idx, (BATCH, SEQ), 0, VOCAB, dtype=jnp.int32)
    # learned token embedding table, N(0,1) init like nn.Embedding default
    token_table = jax.random.normal(k_tab, (VOCAB, EMBED), dtype=jnp.float32)
    pe = make_positional_encoding(MAX_LEN, EMBED)
    return {"x": x, "token_table": token_table, "pe": pe}


def reference(x, token_table, pe):
    # token embedding lookup (SparseCore gather)
    token_emb = jnp.take(token_table, x, axis=0)  # [B, S, D]
    # positional encoding: add sinusoidal pe for the first seq_len positions
    seq_len = token_emb.shape[1]
    pos_emb = token_emb + pe[None, :seq_len, :]
    # dropout in eval mode is identity
    return pos_emb

if __name__ == "__main__":
    import jax
    _d = setup_inputs()
    print(jax.jit(kernel)(*tuple(_d.values())))

</pallas_src>

<mosaic_0001>
#map = affine_map<(d0, d1) -> (0)>
#map1 = affine_map<(d0, d1) -> (0, 0)>
#map2 = affine_map<(d0, d1) -> (0, 0, 0)>
module attributes {stable_mosaic.version = 14 : i64} {
  func.func @k(%arg0: i32, %arg1: i32, %arg2: memref<204800xi32, #tpu.memory_space<hbm>>, %arg3: memref<1000000x128xf32, #tpu.memory_space<hbm>>, %arg4: memref<256x64xf32, #tpu.memory_space<hbm>>, %arg5: memref<1024x200x64xf32, #tpu.memory_space<hbm>>, %arg6: memref<400xi32, #tpu.memory_space<vmem>>, %arg7: memref<200x64xf32, #tpu.memory_space<vmem>>, %arg8: memref<2x200x128xf32, #tpu.memory_space<vmem>>, %arg9: memref<2x200x64xf32, #tpu.memory_space<vmem>>, %arg10: memref<!tpu.dma_semaphore, #tpu.memory_space<semaphore_mem>>, %arg11: memref<!tpu.dma_semaphore, #tpu.memory_space<semaphore_mem>>, %arg12: memref<!tpu.dma_semaphore, #tpu.memory_space<semaphore_mem>>) attributes {dimension_semantics = [#tpu.dimension_semantics<core_parallel>, #tpu.dimension_semantics<subcore_parallel>], iteration_bounds = array<i64: 2, 16>, scalar_prefetch = 0 : i64, scratch_operands = 7 : i64, tpu.core_type = #tpu.core_type<sc_vector_subcore>, window_params = [{transform_indices = #map}, {transform_indices = #map1}, {transform_indices = #map1}, {transform_indices = #map2}]} {
    %mul3A = arith.constant 2 : i32
    %mul3A_0 = arith.muli %arg1, %mul3A : i32
    %add3A = arith.addi %mul3A_0, %arg0 : i32
    %mul3A_1 = arith.constant 32 : i32
    %mul3A_2 = arith.muli %add3A, %mul3A_1 : i32
    "tpu.region"() ({
      %run_scoped3A = tpu.sem_alloc : memref<!tpu.dma_semaphore, #tpu.memory_space<semaphore_mem>>
      %dma_start3A_62 = arith.constant 0 : i32
      %dma_start3A_63 = arith.constant 0 : i32
      %dma_start3A_64 = tpu.memref_slice %arg4[%dma_start3A_62, %dma_start3A_63] : memref<256x64xf32, #tpu.memory_space<hbm>> -> memref<200x64xf32, #tpu.memory_space<hbm>>
      %dma_start3A_65 = arith.constant 0 : i32
      %dma_start3A_66 = arith.constant 0 : i32
      %dma_start3A_67 = tpu.memref_slice %arg4[%dma_start3A_65, %dma_start3A_66] : memref<256x64xf32, #tpu.memory_space<hbm>> -> memref<200x64xf32, #tpu.memory_space<hbm>>
      tpu.enqueue_dma source(%dma_start3A_67 : memref<200x64xf32, #tpu.memory_space<hbm>>) target(%arg7 : memref<200x64xf32, #tpu.memory_space<vmem>>) target_semaphore(%run_scoped3A : memref<!tpu.dma_semaphore, #tpu.memory_space<semaphore_mem>>)
      %dma_wait3A_68 = arith.constant 0 : i32
      %dma_wait3A_69 = arith.constant 0 : i32
      %dma_wait3A_70 = tpu.memref_slice %arg4[%dma_wait3A_68, %dma_wait3A_69] : memref<256x64xf32, #tpu.memory_space<hbm>> -> memref<200x64xf32, #tpu.memory_space<hbm>>
      %dma_wait3A_71 = arith.constant 0 : i32
      %dma_wait3A_72 = arith.constant 0 : i32
      %dma_wait3A_73 = tpu.memref_slice %arg4[%dma_wait3A_71, %dma_wait3A_72] : memref<256x64xf32, #tpu.memory_space<hbm>> -> memref<200x64xf32, #tpu.memory_space<hbm>>
      tpu.wait_dma2 semaphore(%run_scoped3A : memref<!tpu.dma_semaphore, #tpu.memory_space<semaphore_mem>>) src(%dma_wait3A_73 : memref<200x64xf32, #tpu.memory_space<hbm>>) dst(%arg7 : memref<200x64xf32, #tpu.memory_space<vmem>>)
      tpu.yield
    }) : () -> ()
    %mul3A_3 = arith.constant 200 : i32
    %mul3A_4 = arith.muli %mul3A_2, %mul3A_3 : i32
    "tpu.region"() ({
      %run_scoped3A = tpu.sem_alloc : memref<!tpu.dma_semaphore, #tpu.memory_space<semaphore_mem>>
      %dma_start3A_62 = arith.constant 0 : i32
      %dma_start3A_63 = tpu.memref_slice %arg6[%dma_start3A_62] : memref<400xi32, #tpu.memory_space<vmem>> -> memref<200xi32, #tpu.memory_space<vmem>>
      %dma_start3A_64 = tpu.memref_slice %arg2[%mul3A_4] : memref<204800xi32, #tpu.memory_space<hbm>> -> memref<200xi32, #tpu.memory_space<hbm>>
      %dma_start3A_65 = arith.constant 0 : i32
      %dma_start3A_66 = tpu.memref_slice %arg6[%dma_start3A_65] : memref<400xi32, #tpu.memory_space<vmem>> -> memref<200xi32, #tpu.memory_space<vmem>>
      %dma_start3A_67 = tpu.memref_slice %arg2[%mul3A_4] : memref<204800xi32, #tpu.memory_space<hbm>> -> memref<200xi32, #tpu.memory_space<hbm>>
      tpu.enqueue_dma source(%dma_start3A_67 : memref<200xi32, #tpu.memory_space<hbm>>) target(%dma_start3A_66 : memref<200xi32, #tpu.memory_space<vmem>>) target_semaphore(%run_scoped3A : memref<!tpu.dma_semaphore, #tpu.memory_space<semaphore_mem>>)
      %dma_wait3A_68 = arith.constant 0 : i32
      %dma_wait3A_69 = tpu.memref_slice %arg6[%dma_wait3A_68] : memref<400xi32, #tpu.memory_space<vmem>> -> memref<200xi32, #tpu.memory_space<vmem>>
      %dma_wait3A_70 = tpu.memref_slice %arg2[%mul3A_4] : memref<204800xi32, #tpu.memory_space<hbm>> -> memref<200xi32, #tpu.memory_space<hbm>>
      %dma_wait3A_71 = arith.constant 0 : i32
      %dma_wait3A_72 = tpu.memref_slice %arg6[%dma_wait3A_71] : memref<400xi32, #tpu.memory_space<vmem>> -> memref<200xi32, #tpu.memory_space<vmem>>
      %dma_wait3A_73 = tpu.memref_slice %arg2[%mul3A_4] : memref<204800xi32, #tpu.memory_space<hbm>> -> memref<200xi32, #tpu.memory_space<hbm>>
      tpu.wait_dma2 semaphore(%run_scoped3A : memref<!tpu.dma_semaphore, #tpu.memory_space<semaphore_mem>>) src(%dma_wait3A_73 : memref<200xi32, #tpu.memory_space<hbm>>) dst(%dma_wait3A_72 : memref<200xi32, #tpu.memory_space<vmem>>)
      tpu.yield
    }) : () -> ()
    %dma_start3A = arith.constant 0 : i32
    %dma_start3A_5 = arith.constant 0 : i32
    %dma_start3A_6 = arith.constant 0 : i32
    %dma_start3A_7 = tpu.memref_slice %arg8[%dma_start3A, %dma_start3A_5, %dma_start3A_6] : memref<2x200x128xf32, #tpu.memory_space<vmem>> -> memref<1x200x128xf32, #tpu.memory_space<vmem>>
    %dma_start3A_8 = tpu.memref_squeeze %dma_start3A_7 : memref<1x200x128xf32, #tpu.memory_space<vmem>> -> memref<200x128xf32, #tpu.memory_space<vmem>>
    %dma_start3A_9 = arith.constant 0 : i32
    %dma_start3A_10 = tpu.memref_slice %arg6[%dma_start3A_9] : memref<400xi32, #tpu.memory_space<vmem>> -> memref<200xi32, #tpu.memory_space<vmem>>
    %dma_start3A_11 = arith.constant 0 : i32
    %dma_start3A_12 = arith.constant 0 : i32
    %dma_start3A_13 = tpu.memref_slice %arg3[%dma_start3A_11, %dma_start3A_12] : memref<1000000x128xf32, #tpu.memory_space<hbm>> -> memref<1000000x128xf32, #tpu.memory_space<hbm>>
    tpu.enqueue_indirect_dma source(%dma_start3A_13 : memref<1000000x128xf32, #tpu.memory_space<hbm>>) target(%dma_start3A_8 : memref<200x128xf32, #tpu.memory_space<vmem>>) offsets(%dma_start3A_10 : memref<200xi32, #tpu.memory_space<vmem>>) semaphore(%arg11 : memref<!tpu.dma_semaphore, #tpu.memory_space<semaphore_mem>>)
    %add3A_14 = arith.constant 1 : i32
    %add3A_15 = arith.addi %mul3A_2, %add3A_14 : i32
    %mul3A_16 = arith.constant 200 : i32
    %mul3A_17 = arith.muli %add3A_15, %mul3A_16 : i32
    %dma_start3A_18 = arith.constant 200 : i32
    %dma_start3A_19 = tpu.memref_slice %arg6[%dma_start3A_18] : memref<400xi32, #tpu.memory_space<vmem>> -> memref<200xi32, #tpu.memory_space<vmem>>
    %dma_start3A_20 = tpu.memref_slice %arg2[%mul3A_17] : memref<204800xi32, #tpu.memory_space<hbm>> -> memref<200xi32, #tpu.memory_space<hbm>>
    %dma_start3A_21 = arith.constant 200 : i32
    %dma_start3A_22 = tpu.memref_slice %arg6[%dma_start3A_21] : memref<400xi32, #tpu.memory_space<vmem>> -> memref<200xi32, #tpu.memory_space<vmem>>
    %dma_start3A_23 = tpu.memref_slice %arg2[%mul3A_17] : memref<204800xi32, #tpu.memory_space<hbm>> -> memref<200xi32, #tpu.memory_space<hbm>>
    tpu.enqueue_dma source(%dma_start3A_23 : memref<200xi32, #tpu.memory_space<hbm>>) target(%dma_start3A_22 : memref<200xi32, #tpu.memory_space<vmem>>) target_semaphore(%arg10 : memref<!tpu.dma_semaphore, #tpu.memory_space<semaphore_mem>>)
    %scan3A = arith.constant 0 : i32
    %scan3A_24 = arith.constant 0 : i32
    %scan3A_25 = arith.constant 32 : i32
    %scan3A_26 = arith.addi %scan3A_24, %scan3A_25 : i32
    %scan3A_27 = arith.constant 1 : i32
    scf.for %scan3A_62 = %scan3A_24 to %scan3A_26 step %scan3A_27  : i32 {
      %jit3A = arith.constant 2 : i32
      %eq3A = arith.constant 0 : i32
      %eq3A_63 = arith.cmpi eq, %jit3A, %eq3A : i32
      %jit3A_64 = arith.constant 1 : i32
      %select_n3A = arith.select %eq3A_63, %jit3A_64, %jit3A : i32
      %rem3A = arith.remsi %scan3A_62, %select_n3A : i32
      %ne3A = arith.constant 0 : i32
      %ne3A_65 = arith.cmpi ne, %rem3A, %ne3A : i32
      %lt3A = arith.constant 0 : i32
      %lt3A_66 = arith.cmpi slt, %rem3A, %lt3A : i32
      %lt3A_67 = arith.constant 0 : i32
      %lt3A_68 = arith.cmpi slt, %select_n3A, %lt3A_67 : i32
      %ne3A_69 = arith.xori %lt3A_66, %lt3A_68 : i1
      %and3A = arith.andi %ne3A_69, %ne3A_65 : i1
      %add3A_70 = arith.addi %rem3A, %select_n3A : i32
      %select_n3A_71 = arith.select %and3A, %add3A_70, %rem3A : i32
      %dma_wait3A_72 = arith.constant 0 : i32
      %dma_wait3A_73 = arith.constant 0 : i32
      %dma_wait3A_74 = tpu.memref_slice %arg8[%select_n3A_71, %dma_wait3A_72, %dma_wait3A_73] : memref<2x200x128xf32, #tpu.memory_space<vmem>> -> memref<1x200x128xf32, #tpu.memory_space<vmem>>
      %dma_wait3A_75 = tpu.memref_squeeze %dma_wait3A_74 : memref<1x200x128xf32, #tpu.memory_space<vmem>> -> memref<200x128xf32, #tpu.memory_space<vmem>>
      %dma_wait3A_76 = arith.constant 0 : i32
      %dma_wait3A_77 = tpu.memref_slice %arg6[%dma_wait3A_76] : memref<400xi32, #tpu.memory_space<vmem>> -> memref<200xi32, #tpu.memory_space<vmem>>
      %dma_wait3A_78 = arith.constant 0 : i32
      %dma_wait3A_79 = arith.constant 0 : i32
      %dma_wait3A_80 = tpu.memref_slice %arg3[%dma_wait3A_78, %dma_wait3A_79] : memref<1000000x128xf32, #tpu.memory_space<hbm>> -> memref<1000000x128xf32, #tpu.memory_space<hbm>>
      tpu.wait_indirect_dma semaphore(%arg11 : memref<!tpu.dma_semaphore, #tpu.memory_space<semaphore_mem>>) src(%dma_wait3A_80 : memref<1000000x128xf32, #tpu.memory_space<hbm>>) dst(%dma_wait3A_75 : memref<200x128xf32, #tpu.memory_space<vmem>>)
      %add3A_81 = arith.constant 1 : i32
      %add3A_82 = arith.addi %scan3A_62, %add3A_81 : i32
      %lt3A_83 = arith.constant 32 : i32
      %lt3A_84 = arith.cmpi slt, %add3A_82, %lt3A_83 : i32
      %convert_element_type3A = arith.extui %lt3A_84 : i1 to i32
      %cond3A = arith.constant 0 : i32
      %cond3A_85 = arith.cmpi ne, %convert_element_type3A, %cond3A : i32
      scf.if %cond3A_85 {
        %dma_wait3A_116 = arith.constant 0 : i32
        %dma_wait3A_117 = tpu.memref_slice %arg6[%dma_wait3A_116] : memref<400xi32, #tpu.memory_space<vmem>> -> memref<200xi32, #tpu.memory_space<vmem>>
        %dma_wait3A_118 = arith.constant 0 : i32
        %dma_wait3A_119 = tpu.memref_slice %arg2[%dma_wait3A_118] : memref<204800xi32, #tpu.memory_space<hbm>> -> memref<200xi32, #tpu.memory_space<hbm>>
        %dma_wait3A_120 = arith.constant 0 : i32
        %dma_wait3A_121 = tpu.memref_slice %arg6[%dma_wait3A_120] : memref<400xi32, #tpu.memory_space<vmem>> -> memref<200xi32, #tpu.memory_space<vmem>>
        %dma_wait3A_122 = arith.constant 0 : i32
        %dma_wait3A_123 = tpu.memref_slice %arg2[%dma_wait3A_122] : memref<204800xi32, #tpu.memory_space<hbm>> -> memref<200xi32, #tpu.memory_space<hbm>>
        tpu.wait_dma2 semaphore(%arg10 : memref<!tpu.dma_semaphore, #tpu.memory_space<semaphore_mem>>) src(%dma_wait3A_123 : memref<200xi32, #tpu.memory_space<hbm>>) dst(%dma_wait3A_121 : memref<200xi32, #tpu.memory_space<vmem>>)
        %sub3A = arith.constant 1 : i32
        %sub3A_124 = arith.subi %sub3A, %select_n3A_71 : i32
        %mul3A_125 = arith.constant 200 : i32
        %mul3A_126 = arith.muli %sub3A_124, %mul3A_125 : i32
        %sub3A_127 = arith.constant 1 : i32
        %sub3A_128 = arith.subi %sub3A_127, %select_n3A_71 : i32
        %dma_start3A_129 = arith.constant 0 : i32
        %dma_start3A_130 = arith.constant 0 : i32
        %dma_start3A_131 = tpu.memref_slice %arg8[%sub3A_128, %dma_start3A_129, %dma_start3A_130] : memref<2x200x128xf32, #tpu.memory_space<vmem>> -> memref<1x200x128xf32, #tpu.memory_space<vmem>>
        %dma_start3A_132 = tpu.memref_squeeze %dma_start3A_131 : memref<1x200x128xf32, #tpu.memory_space<vmem>> -> memref<200x128xf32, #tpu.memory_space<vmem>>
        %dma_start3A_133 = tpu.memref_slice %arg6[%mul3A_126] : memref<400xi32, #tpu.memory_space<vmem>> -> memref<200xi32, #tpu.memory_space<vmem>>
        %dma_start3A_134 = arith.constant 0 : i32
        %dma_start3A_135 = arith.constant 0 : i32
        %dma_start3A_136 = tpu.memref_slice %arg3[%dma_start3A_134, %dma_start3A_135] : memref<1000000x128xf32, #tpu.memory_space<hbm>> -> memref<1000000x128xf32, #tpu.memory_space<hbm>>
        tpu.enqueue_indirect_dma source(%dma_start3A_136 : memref<1000000x128xf32, #tpu.memory_space<hbm>>) target(%dma_start3A_132 : memref<200x128xf32, #tpu.memory_space<vmem>>) offsets(%dma_start3A_133 : memref<200xi32, #tpu.memory_space<vmem>>) semaphore(%arg11 : memref<!tpu.dma_semaphore, #tpu.memory_space<semaphore_mem>>)
      } else {
      }
      %add3A_86 = arith.constant 2 : i32
      %add3A_87 = arith.addi %scan3A_62, %add3A_86 : i32
      %lt3A_88 = arith.constant 32 : i32
      %lt3A_89 = arith.cmpi slt, %add3A_87, %lt3A_88 : i32
      %convert_element_type3A_90 = arith.extui %lt3A_89 : i1 to i32
      %cond3A_91 = arith.constant 0 : i32
      %cond3A_92 = arith.cmpi ne, %convert_element_type3A_90, %cond3A_91 : i32
      scf.if %cond3A_92 {
        %add3A_116 = arith.constant 2 : i32
        %add3A_117 = arith.addi %scan3A_62, %add3A_116 : i32
        %add3A_118 = arith.addi %mul3A_2, %add3A_117 : i32
        %mul3A_119 = arith.constant 200 : i32
        %mul3A_120 = arith.muli %add3A_118, %mul3A_119 : i32
        %mul3A_121 = arith.constant 200 : i32
        %mul3A_122 = arith.muli %select_n3A_71, %mul3A_121 : i32
        %dma_start3A_123 = tpu.memref_slice %arg6[%mul3A_122] : memref<400xi32, #tpu.memory_space<vmem>> -> memref<200xi32, #tpu.memory_space<vmem>>
        %dma_start3A_124 = tpu.memref_slice %arg2[%mul3A_120] : memref<204800xi32, #tpu.memory_space<hbm>> -> memref<200xi32, #tpu.memory_space<hbm>>
        %dma_start3A_125 = tpu.memref_slice %arg6[%mul3A_122] : memref<400xi32, #tpu.memory_space<vmem>> -> memref<200xi32, #tpu.memory_space<vmem>>
        %dma_start3A_126 = tpu.memref_slice %arg2[%mul3A_120] : memref<204800xi32, #tpu.memory_space<hbm>> -> memref<200xi32, #tpu.memory_space<hbm>>
        tpu.enqueue_dma source(%dma_start3A_126 : memref<200xi32, #tpu.memory_space<hbm>>) target(%dma_start3A_125 : memref<200xi32, #tpu.memory_space<vmem>>) target_semaphore(%arg10 : memref<!tpu.dma_semaphore, #tpu.memory_space<semaphore_mem>>)
      } else {
      }
      %ge3A = arith.constant 2 : i32
      %ge3A_93 = arith.cmpi sge, %scan3A_62, %ge3A : i32
      %convert_element_type3A_94 = arith.extui %ge3A_93 : i1 to i32
      %cond3A_95 = arith.constant 0 : i32
      %cond3A_96 = arith.cmpi ne, %convert_element_type3A_94, %cond3A_95 : i32
      scf.if %cond3A_96 {
        %dma_wait3A_116 = arith.constant 0 : i32
        %dma_wait3A_117 = arith.constant 0 : i32
        %dma_wait3A_118 = arith.constant 0 : i32
        %dma_wait3A_119 = tpu.memref_slice %arg9[%dma_wait3A_116, %dma_wait3A_117, %dma_wait3A_118] : memref<2x200x64xf32, #tpu.memory_space<vmem>> -> memref<1x200x64xf32, #tpu.memory_space<vmem>>
        %dma_wait3A_120 = tpu.memref_squeeze %dma_wait3A_119 : memref<1x200x64xf32, #tpu.memory_space<vmem>> -> memref<200x64xf32, #tpu.memory_space<vmem>>
        %dma_wait3A_121 = arith.constant 0 : i32
        %dma_wait3A_122 = arith.constant 0 : i32
        %dma_wait3A_123 = tpu.memref_slice %arg5[%mul3A_2, %dma_wait3A_121, %dma_wait3A_122] : memref<1024x200x64xf32, #tpu.memory_space<hbm>> -> memref<1x200x64xf32, #tpu.memory_space<hbm>>
        %dma_wait3A_124 = tpu.memref_squeeze %dma_wait3A_123 : memref<1x200x64xf32, #tpu.memory_space<hbm>> -> memref<200x64xf32, #tpu.memory_space<hbm>>
        %dma_wait3A_125 = arith.constant 0 : i32
        %dma_wait3A_126 = arith.constant 0 : i32
        %dma_wait3A_127 = tpu.memref_slice %arg5[%mul3A_2, %dma_wait3A_125, %dma_wait3A_126] : memref<1024x200x64xf32, #tpu.memory_space<hbm>> -> memref<1x200x64xf32, #tpu.memory_space<hbm>>
        %dma_wait3A_128 = tpu.memref_squeeze %dma_wait3A_127 : memref<1x200x64xf32, #tpu.memory_space<hbm>> -> memref<200x64xf32, #tpu.memory_space<hbm>>
        %dma_wait3A_129 = arith.constant 0 : i32
        %dma_wait3A_130 = arith.constant 0 : i32
        %dma_wait3A_131 = tpu.memref_slice %arg9[%dma_wait3A_116, %dma_wait3A_129, %dma_wait3A_130] : memref<2x200x64xf32, #tpu.memory_space<vmem>> -> memref<1x200x64xf32, #tpu.memory_space<vmem>>
        %dma_wait3A_132 = tpu.memref_squeeze %dma_wait3A_131 : memref<1x200x64xf32, #tpu.memory_space<vmem>> -> memref<200x64xf32, #tpu.memory_space<vmem>>
        tpu.wait_dma2 semaphore(%arg12 : memref<!tpu.dma_semaphore, #tpu.memory_space<semaphore_mem>>) src(%dma_wait3A_132 : memref<200x64xf32, #tpu.memory_space<vmem>>) dst(%dma_wait3A_128 : memref<200x64xf32, #tpu.memory_space<hbm>>)
      } else {
      }
      %parallel_loop3A = arith.constant 0 : i32
      %parallel_loop3A_97 = arith.constant 200 : i32
      %parallel_loop3A_98 = arith.constant 1 : i32
      scf.for %parallel_loop3A_116 = %parallel_loop3A to %parallel_loop3A_97 step %parallel_loop3A_98  : i32 {
        %parallel_loop3A_117 = arith.constant 0 : i32
        %parallel_loop3A_118 = arith.constant 0 : i32
        %parallel_loop3A_119 = tpu.memref_slice %arg8[%select_n3A_71, %parallel_loop3A_117, %parallel_loop3A_118] : memref<2x200x128xf32, #tpu.memory_space<vmem>> -> memref<1x200x128xf32, #tpu.memory_space<vmem>>
        %parallel_loop3A_120 = tpu.memref_squeeze %parallel_loop3A_119 : memref<1x200x128xf32, #tpu.memory_space<vmem>> -> memref<200x128xf32, #tpu.memory_space<vmem>>
        %parallel_loop3A_121 = arith.index_cast %parallel_loop3A_116 : i32 to index
        %parallel_loop3A_122 = arith.constant 0 : index
        %parallel_loop3A_123 = tpu.vector_load %parallel_loop3A_120[%parallel_loop3A_121, %parallel_loop3A_122] {strides = array<i32>} : memref<200x128xf32, #tpu.memory_space<vmem>>, vector<1x16xf32>,
        %parallel_loop3A_124 = vector.shape_cast %parallel_loop3A_123 : vector<1x16xf32> to vector<16xf32>
        %parallel_loop3A_125 = arith.index_cast %parallel_loop3A_116 : i32 to index
        %parallel_loop3A_126 = arith.constant 0 : index
        %parallel_loop3A_127 = tpu.vector_load %arg7[%parallel_loop3A_125, %parallel_loop3A_126] {strides = array<i32>} : memref<200x64xf32, #tpu.memory_space<vmem>>, vector<1x16xf32>,
        %parallel_loop3A_128 = vector.shape_cast %parallel_loop3A_127 : vector<1x16xf32> to vector<16xf32>
        %parallel_loop3A_129 = arith.addf %parallel_loop3A_124, %parallel_loop3A_128 : vector<16xf32>
        %parallel_loop3A_130 = arith.constant 0 : i32
        %parallel_loop3A_131 = arith.constant 0 : i32
        %parallel_loop3A_132 = tpu.memref_slice %arg9[%select_n3A_71, %parallel_loop3A_130, %parallel_loop3A_131] : memref<2x200x64xf32, #tpu.memory_space<vmem>> -> memref<1x200x64xf32, #tpu.memory_space<vmem>>
        %parallel_loop3A_133 = tpu.memref_squeeze %parallel_loop3A_132 : memref<1x200x64xf32, #tpu.memory_space<vmem>> -> memref<200x64xf32, #tpu.memory_space<vmem>>
        %parallel_loop3A_134 = arith.index_cast %parallel_loop3A_116 : i32 to index
        %parallel_loop3A_135 = arith.constant 0 : index
        %parallel_loop3A_136 = tpu.vector_load %parallel_loop3A_133[%parallel_loop3A_134, %parallel_loop3A_135] {strides = array<i32>} : memref<200x64xf32, #tpu.memory_space<vmem>>, vector<1x16xf32>,
        %parallel_loop3A_137 = vector.shape_cast %parallel_loop3A_136 : vector<1x16xf32> to vector<16xf32>
        %parallel_loop3A_138 = vector.shape_cast %parallel_loop3A_129 : vector<16xf32> to vector<1x16xf32>
        tpu.vector_store %parallel_loop3A_133[%parallel_loop3A_134, %parallel_loop3A_135], %parallel_loop3A_138 {strides = array<i32>} : memref<200x64xf32, #tpu.memory_space<vmem>>, vector<1x16xf32>,
        %parallel_loop3A_139 = arith.constant 0 : i32
        %parallel_loop3A_140 = arith.constant 0 : i32
        %parallel_loop3A_141 = tpu.memref_slice %arg8[%select_n3A_71, %parallel_loop3A_139, %parallel_loop3A_140] : memref<2x200x128xf32, #tpu.memory_space<vmem>> -> memref<1x200x128xf32, #tpu.memory_space<vmem>>
        %parallel_loop3A_142 = tpu.memref_squeeze %parallel_loop3A_141 : memref<1x200x128xf32, #tpu.memory_space<vmem>> -> memref<200x128xf32, #tpu.memory_space<vmem>>
        %parallel_loop3A_143 = arith.index_cast %parallel_loop3A_116 : i32 to index
        %parallel_loop3A_144 = arith.constant 16 : index
        %parallel_loop3A_145 = tpu.vector_load %parallel_loop3A_142[%parallel_loop3A_143, %parallel_loop3A_144] {strides = array<i32>} : memref<200x128xf32, #tpu.memory_space<vmem>>, vector<1x16xf32>,
        %parallel_loop3A_146 = vector.shape_cast %parallel_loop3A_145 : vector<1x16xf32> to vector<16xf32>
        %parallel_loop3A_147 = arith.index_cast %parallel_loop3A_116 : i32 to index
        %parallel_loop3A_148 = arith.constant 16 : index
        %parallel_loop3A_149 = tpu.vector_load %arg7[%parallel_loop3A_147, %parallel_loop3A_148] {strides = array<i32>} : memref<200x64xf32, #tpu.memory_space<vmem>>, vector<1x16xf32>,
        %parallel_loop3A_150 = vector.shape_cast %parallel_loop3A_149 : vector<1x16xf32> to vector<16xf32>
        %parallel_loop3A_151 = arith.addf %parallel_loop3A_146, %parallel_loop3A_150 : vector<16xf32>
        %parallel_loop3A_152 = arith.constant 0 : i32
        %parallel_loop3A_153 = arith.constant 0 : i32
        %parallel_loop3A_154 = tpu.memref_slice %arg9[%select_n3A_71, %parallel_loop3A_152, %parallel_loop3A_153] : memref<2x200x64xf32, #tpu.memory_space<vmem>> -> memref<1x200x64xf32, #tpu.memory_space<vmem>>
        %parallel_loop3A_155 = tpu.memref_squeeze %parallel_loop3A_154 : memref<1x200x64xf32, #tpu.memory_space<vmem>> -> memref<200x64xf32, #tpu.memory_space<vmem>>
        %parallel_loop3A_156 = arith.index_cast %parallel_loop3A_116 : i32 to index
        %parallel_loop3A_157 = arith.constant 16 : index
        %parallel_loop3A_158 = tpu.vector_load %parallel_loop3A_155[%parallel_loop3A_156, %parallel_loop3A_157] {strides = array<i32>} : memref<200x64xf32, #tpu.memory_space<vmem>>, vector<1x16xf32>,
        %parallel_loop3A_159 = vector.shape_cast %parallel_loop3A_158 : vector<1x16xf32> to vector<16xf32>
        %parallel_loop3A_160 = vector.shape_cast %parallel_loop3A_151 : vector<16xf32> to vector<1x16xf32>
        tpu.vector_store %parallel_loop3A_155[%parallel_loop3A_156, %parallel_loop3A_157], %parallel_loop3A_160 {strides = array<i32>} : memref<200x64xf32, #tpu.memory_space<vmem>>, vector<1x16xf32>,
        %parallel_loop3A_161 = arith.constant 0 : i32
        %parallel_loop3A_162 = arith.constant 0 : i32
        %parallel_loop3A_163 = tpu.memref_slice %arg8[%select_n3A_71, %parallel_loop3A_161, %parallel_loop3A_162] : memref<2x200x128xf32, #tpu.memory_space<vmem>> -> memref<1x200x128xf32, #tpu.memory_space<vmem>>
        %parallel_loop3A_164 = tpu.memref_squeeze %parallel_loop3A_163 : memref<1x200x128xf32, #tpu.memory_space<vmem>> -> memref<200x128xf32, #tpu.memory_space<vmem>>
        %parallel_loop3A_165 = arith.index_cast %parallel_loop3A_116 : i32 to index
        %parallel_loop3A_166 = arith.constant 32 : index
        %parallel_loop3A_167 = tpu.vector_load %parallel_loop3A_164[%parallel_loop3A_165, %parallel_loop3A_166] {strides = array<i32>} : memref<200x128xf32, #tpu.memory_space<vmem>>, vector<1x16xf32>,
        %parallel_loop3A_168 = vector.shape_cast %parallel_loop3A_167 : vector<1x16xf32> to vector<16xf32>
        %parallel_loop3A_169 = arith.index_cast %parallel_loop3A_116 : i32 to index
        %parallel_loop3A_170 = arith.constant 32 : index
        %parallel_loop3A_171 = tpu.vector_load %arg7[%parallel_loop3A_169, %parallel_loop3A_170] {strides = array<i32>} : memref<200x64xf32, #tpu.memory_space<vmem>>, vector<1x16xf32>,
        %parallel_loop3A_172 = vector.shape_cast %parallel_loop3A_171 : vector<1x16xf32> to vector<16xf32>
        %parallel_loop3A_173 = arith.addf %parallel_loop3A_168, %parallel_loop3A_172 : vector<16xf32>
        %parallel_loop3A_174 = arith.constant 0 : i32
        %parallel_loop3A_175 = arith.constant 0 : i32
        %parallel_loop3A_176 = tpu.memref_slice %arg9[%select_n3A_71, %parallel_loop3A_174, %parallel_loop3A_175] : memref<2x200x64xf32, #tpu.memory_space<vmem>> -> memref<1x200x64xf32, #tpu.memory_space<vmem>>
        %parallel_loop3A_177 = tpu.memref_squeeze %parallel_loop3A_176 : memref<1x200x64xf32, #tpu.memory_space<vmem>> -> memref<200x64xf32, #tpu.memory_space<vmem>>
        %parallel_loop3A_178 = arith.index_cast %parallel_loop3A_116 : i32 to index
        %parallel_loop3A_179 = arith.constant 32 : index
        %parallel_loop3A_180 = tpu.vector_load %parallel_loop3A_177[%parallel_loop3A_178, %parallel_loop3A_179] {strides = array<i32>} : memref<200x64xf32, #tpu.memory_space<vmem>>, vector<1x16xf32>,
        %parallel_loop3A_181 = vector.shape_cast %parallel_loop3A_180 : vector<1x16xf32> to vector<16xf32>
        %parallel_loop3A_182 = vector.shape_cast %parallel_loop3A_173 : vector<16xf32> to vector<1x16xf32>
        tpu.vector_store %parallel_loop3A_177[%parallel_loop3A_178, %parallel_loop3A_179], %parallel_loop3A_182 {strides = array<i32>} : memref<200x64xf32, #tpu.memory_space<vmem>>, vector<1x16xf32>,
        %parallel_loop3A_183 = arith.constant 0 : i32
        %parallel_loop3A_184 = arith.constant 0 : i32
        %parallel_loop3A_185 = tpu.memref_slice %arg8[%select_n3A_71, %parallel_loop3A_183, %parallel_loop3A_184] : memref<2x200x128xf32, #tpu.memory_space<vmem>> -> memref<1x200x128xf32, #tpu.memory_space<vmem>>
        %parallel_loop3A_186 = tpu.memref_squeeze %parallel_loop3A_185 : memref<1x200x128xf32, #tpu.memory_space<vmem>> -> memref<200x128xf32, #tpu.memory_space<vmem>>
        %parallel_loop3A_187 = arith.index_cast %parallel_loop3A_116 : i32 to index
        %parallel_loop3A_188 = arith.constant 48 : index
        %parallel_loop3A_189 = tpu.vector_load %parallel_loop3A_186[%parallel_loop3A_187, %parallel_loop3A_188] {strides = array<i32>} : memref<200x128xf32, #tpu.memory_space<vmem>>, vector<1x16xf32>,
        %parallel_loop3A_190 = vector.shape_cast %parallel_loop3A_189 : vector<1x16xf32> to vector<16xf32>
        %parallel_loop3A_191 = arith.index_cast %parallel_loop3A_116 : i32 to index
        %parallel_loop3A_192 = arith.constant 48 : index
        %parallel_loop3A_193 = tpu.vector_load %arg7[%parallel_loop3A_191, %parallel_loop3A_192] {strides = array<i32>} : memref<200x64xf32, #tpu.memory_space<vmem>>, vector<1x16xf32>,
        %parallel_loop3A_194 = vector.shape_cast %parallel_loop3A_193 : vector<1x16xf32> to vector<16xf32>
        %parallel_loop3A_195 = arith.addf %parallel_loop3A_190, %parallel_loop3A_194 : vector<16xf32>
        %parallel_loop3A_196 = arith.constant 0 : i32
        %parallel_loop3A_197 = arith.constant 0 : i32
        %parallel_loop3A_198 = tpu.memref_slice %arg9[%select_n3A_71, %parallel_loop3A_196, %parallel_loop3A_197] : memref<2x200x64xf32, #tpu.memory_space<vmem>> -> memref<1x200x64xf32, #tpu.memory_space<vmem>>
        %parallel_loop3A_199 = tpu.memref_squeeze %parallel_loop3A_198 : memref<1x200x64xf32, #tpu.memory_space<vmem>> -> memref<200x64xf32, #tpu.memory_space<vmem>>
        %parallel_loop3A_200 = arith.index_cast %parallel_loop3A_116 : i32 to index
        %parallel_loop3A_201 = arith.constant 48 : index
        %parallel_loop3A_202 = tpu.vector_load %parallel_loop3A_199[%parallel_loop3A_200, %parallel_loop3A_201] {strides = array<i32>} : memref<200x64xf32, #tpu.memory_space<vmem>>, vector<1x16xf32>,
        %parallel_loop3A_203 = vector.shape_cast %parallel_loop3A_202 : vector<1x16xf32> to vector<16xf32>
        %parallel_loop3A_204 = vector.shape_cast %parallel_loop3A_195 : vector<16xf32> to vector<1x16xf32>
        tpu.vector_store %parallel_loop3A_199[%parallel_loop3A_200, %parallel_loop3A_201], %parallel_loop3A_204 {strides = array<i32>} : memref<200x64xf32, #tpu.memory_space<vmem>>, vector<1x16xf32>,
      } {sc.loop_unroll_factor = 8 : i64, sc.parallel_access}
      %add3A_99 = arith.addi %mul3A_2, %scan3A_62 : i32
      %dma_start3A_100 = arith.constant 0 : i32
      %dma_start3A_101 = arith.constant 0 : i32
      %dma_start3A_102 = tpu.memref_slice %arg9[%select_n3A_71, %dma_start3A_100, %dma_start3A_101] : memref<2x200x64xf32, #tpu.memory_space<vmem>> -> memref<1x200x64xf32, #tpu.memory_space<vmem>>
      %dma_start3A_103 = tpu.memref_squeeze %dma_start3A_102 : memref<1x200x64xf32, #tpu.memory_space<vmem>> -> memref<200x64xf32, #tpu.memory_space<vmem>>
      %dma_start3A_104 = arith.constant 0 : i32
      %dma_start3A_105 = arith.constant 0 : i32
      %dma_start3A_106 = tpu.memref_slice %arg5[%add3A_99, %dma_start3A_104, %dma_start3A_105] : memref<1024x200x64xf32, #tpu.memory_space<hbm>> -> memref<1x200x64xf32, #tpu.memory_space<hbm>>
      %dma_start3A_107 = tpu.memref_squeeze %dma_start3A_106 : memref<1x200x64xf32, #tpu.memory_space<hbm>> -> memref<200x64xf32, #tpu.memory_space<hbm>>
      %dma_start3A_108 = arith.constant 0 : i32
      %dma_start3A_109 = arith.constant 0 : i32
      %dma_start3A_110 = tpu.memref_slice %arg5[%add3A_99, %dma_start3A_108, %dma_start3A_109] : memref<1024x200x64xf32, #tpu.memory_space<hbm>> -> memref<1x200x64xf32, #tpu.memory_space<hbm>>
      %dma_start3A_111 = tpu.memref_squeeze %dma_start3A_110 : memref<1x200x64xf32, #tpu.memory_space<hbm>> -> memref<200x64xf32, #tpu.memory_space<hbm>>
      %dma_start3A_112 = arith.constant 0 : i32
      %dma_start3A_113 = arith.constant 0 : i32
      %dma_start3A_114 = tpu.memref_slice %arg9[%select_n3A_71, %dma_start3A_112, %dma_start3A_113] : memref<2x200x64xf32, #tpu.memory_space<vmem>> -> memref<1x200x64xf32, #tpu.memory_space<vmem>>
      %dma_start3A_115 = tpu.memref_squeeze %dma_start3A_114 : memref<1x200x64xf32, #tpu.memory_space<vmem>> -> memref<200x64xf32, #tpu.memory_space<vmem>>
      tpu.enqueue_dma source(%dma_start3A_115 : memref<200x64xf32, #tpu.memory_space<vmem>>) target(%dma_start3A_111 : memref<200x64xf32, #tpu.memory_space<hbm>>) target_semaphore(%arg12 : memref<!tpu.dma_semaphore, #tpu.memory_space<semaphore_mem>>)
    }
    %scan3A_28 = arith.constant 32 : i32
    %dma_wait3A = arith.constant 0 : i32
    %dma_wait3A_29 = arith.constant 0 : i32
    %dma_wait3A_30 = arith.constant 0 : i32
    %dma_wait3A_31 = tpu.memref_slice %arg9[%dma_wait3A, %dma_wait3A_29, %dma_wait3A_30] : memref<2x200x64xf32, #tpu.memory_space<vmem>> -> memref<1x200x64xf32, #tpu.memory_space<vmem>>
    %dma_wait3A_32 = tpu.memref_squeeze %dma_wait3A_31 : memref<1x200x64xf32, #tpu.memory_space<vmem>> -> memref<200x64xf32, #tpu.memory_space<vmem>>
    %dma_wait3A_33 = arith.constant 0 : i32
    %dma_wait3A_34 = arith.constant 0 : i32
    %dma_wait3A_35 = tpu.memref_slice %arg5[%mul3A_2, %dma_wait3A_33, %dma_wait3A_34] : memref<1024x200x64xf32, #tpu.memory_space<hbm>> -> memref<1x200x64xf32, #tpu.memory_space<hbm>>
    %dma_wait3A_36 = tpu.memref_squeeze %dma_wait3A_35 : memref<1x200x64xf32, #tpu.memory_space<hbm>> -> memref<200x64xf32, #tpu.memory_space<hbm>>
    %dma_wait3A_37 = arith.constant 0 : i32
    %dma_wait3A_38 = arith.constant 0 : i32
    %dma_wait3A_39 = tpu.memref_slice %arg5[%mul3A_2, %dma_wait3A_37, %dma_wait3A_38] : memref<1024x200x64xf32, #tpu.memory_space<hbm>> -> memref<1x200x64xf32, #tpu.memory_space<hbm>>
    %dma_wait3A_40 = tpu.memref_squeeze %dma_wait3A_39 : memref<1x200x64xf32, #tpu.memory_space<hbm>> -> memref<200x64xf32, #tpu.memory_space<hbm>>
    %dma_wait3A_41 = arith.constant 0 : i32
    %dma_wait3A_42 = arith.constant 0 : i32
    %dma_wait3A_43 = tpu.memref_slice %arg9[%dma_wait3A, %dma_wait3A_41, %dma_wait3A_42] : memref<2x200x64xf32, #tpu.memory_space<vmem>> -> memref<1x200x64xf32, #tpu.memory_space<vmem>>
    %dma_wait3A_44 = tpu.memref_squeeze %dma_wait3A_43 : memref<1x200x64xf32, #tpu.memory_space<vmem>> -> memref<200x64xf32, #tpu.memory_space<vmem>>
    tpu.wait_dma2 semaphore(%arg12 : memref<!tpu.dma_semaphore, #tpu.memory_space<semaphore_mem>>) src(%dma_wait3A_44 : memref<200x64xf32, #tpu.memory_space<vmem>>) dst(%dma_wait3A_40 : memref<200x64xf32, #tpu.memory_space<hbm>>)
    %dma_wait3A_45 = arith.constant 0 : i32
    %dma_wait3A_46 = arith.constant 0 : i32
    %dma_wait3A_47 = arith.constant 0 : i32
    %dma_wait3A_48 = tpu.memref_slice %arg9[%dma_wait3A_45, %dma_wait3A_46, %dma_wait3A_47] : memref<2x200x64xf32, #tpu.memory_space<vmem>> -> memref<1x200x64xf32, #tpu.memory_space<vmem>>
    %dma_wait3A_49 = tpu.memref_squeeze %dma_wait3A_48 : memref<1x200x64xf32, #tpu.memory_space<vmem>> -> memref<200x64xf32, #tpu.memory_space<vmem>>
    %dma_wait3A_50 = arith.constant 0 : i32
    %dma_wait3A_51 = arith.constant 0 : i32
    %dma_wait3A_52 = tpu.memref_slice %arg5[%mul3A_2, %dma_wait3A_50, %dma_wait3A_51] : memref<1024x200x64xf32, #tpu.memory_space<hbm>> -> memref<1x200x64xf32, #tpu.memory_space<hbm>>
    %dma_wait3A_53 = tpu.memref_squeeze %dma_wait3A_52 : memref<1x200x64xf32, #tpu.memory_space<hbm>> -> memref<200x64xf32, #tpu.memory_space<hbm>>
    %dma_wait3A_54 = arith.constant 0 : i32
    %dma_wait3A_55 = arith.constant 0 : i32
    %dma_wait3A_56 = tpu.memref_slice %arg5[%mul3A_2, %dma_wait3A_54, %dma_wait3A_55] : memref<1024x200x64xf32, #tpu.memory_space<hbm>> -> memref<1x200x64xf32, #tpu.memory_space<hbm>>
    %dma_wait3A_57 = tpu.memref_squeeze %dma_wait3A_56 : memref<1x200x64xf32, #tpu.memory_space<hbm>> -> memref<200x64xf32, #tpu.memory_space<hbm>>
    %dma_wait3A_58 = arith.constant 0 : i32
    %dma_wait3A_59 = arith.constant 0 : i32
    %dma_wait3A_60 = tpu.memref_slice %arg9[%dma_wait3A_45, %dma_wait3A_58, %dma_wait3A_59] : memref<2x200x64xf32, #tpu.memory_space<vmem>> -> memref<1x200x64xf32, #tpu.memory_space<vmem>>
    %dma_wait3A_61 = tpu.memref_squeeze %dma_wait3A_60 : memref<1x200x64xf32, #tpu.memory_space<vmem>> -> memref<200x64xf32, #tpu.memory_space<vmem>>
    tpu.wait_dma2 semaphore(%arg12 : memref<!tpu.dma_semaphore, #tpu.memory_space<semaphore_mem>>) src(%dma_wait3A_61 : memref<200x64xf32, #tpu.memory_space<vmem>>) dst(%dma_wait3A_57 : memref<200x64xf32, #tpu.memory_space<hbm>>)
    return
  }
}

</mosaic_0001>

<sc_bundles>
// kernel: kernel.3.cloned.1.call-start
scs
__scs_entry_jumppad:
0x0: {  	(pc) =	sbr.rel $0x88, $3  }
0x1: {  	(tag) =	ssettag $0x0;
	lr =	simm.s32 $0x1  }
0x2: {  	[smem:$0x3F9E] =	sst lr;
	_ =	strace $0xD0000000  }
0x3: {  	_ = 	snop  }
0x4: {  	_ = 	snop  }
0x5: {  	_ = 	snop  }
0x6: {  	_ = 	snop  }
0x7: {  	_ = 	snop  }
__scs_overlays_trampoline_lowered:
0x8: {  	[smem:$0x3FAD] =	sst s0  }
0x9: {  	[smem:$0x3FAE] =	sst s1  }
0xa: {  	[smem:$0x3FAF] =	sst s2  }
0xb: {  	[smem:$0x3FB0] =	sst s3  }
0xc: {  	[smem:$0x3FB1] =	sst s4  }
0xd: {  	[smem:$0x3FB2] =	sst s5  }
0xe: {  	[smem:$0x3FB3] =	sst s6  }
0xf: {  	[smem:$0x3FB4] =	sst s7  }
0x10: {  	[smem:$0x3FB5] =	sst s8  }
0x11: {  	[smem:$0x3FB6] =	sst s9;
	s0 =	simm.s32 @!p0 $0x0  }
0x12: {  	s1 =	sld [smem:$0x3F9C];
	s0 =	simm.s32 @p0 $0x1  }
0x13: {  	[smem:$0x3FB7] =	sst s0;
	s0 =	simm.s32 @!p1 $0x0  }
0x14: {  	s2 =	sld [smem:$0x3F9B];
	s0 =	simm.s32 @p1 $0x1  }
0x15: {  	[smem:$0x3FB8] =	sst s0;
	s0 =	simm.s32 @!p2 $0x0  }
0x16: {  	s3 =	sld [smem:$0x3FDB];
	s0 =	simm.s32 @p2 $0x1  }
0x17: {  	s4 =	simm.s32 $0x1BF5;
	[smem:$0x3FBA] =	sst s0  }
0x18: {  	s0 =	sld [smem:$0x3F9D];
	_ =	swait.ge [sflag:s4], $0x0  }
0x19: {  	s7 =	sld [smem:$0x3F9E]  }
0x1a: {  	s8 =	sadd.s32 $0xFFFFE003, lr  }
0x1b: {  	s9 =	sadd.s32 $0xFFFFFEF7, lr;
	s5 =	simm.s32 $0xFFFFFFFF;
	p2 =	slt.u32 s8, $0xFFFFF086  }
0x1c: {  	p1 =	slt.u32 s9, $0xF7A;
	s5 =	simm.s32 @!p2 $0x0  }
0x1d: {  	s5 =	simm.s32 @p1 $0x1;
	p0 =	seq.s32 s7, s2  }
0x1e: {  	s7 =	smul.u32 @!p0 $0xF7A, s2;
	p2 =	seq.s32 @!p0 s5, $0x0  }
0x1f: {  	s9 =	smul.u32 $0xF7A, s1;
	s8 =	simm.s32 @!p0 $0x1BF5;
	p2 =	por !p2, p0  }
0x20: {  	[sflag:s8] =	ssyncset.s32 @!p0 $0xFFFFF086;
	s6 =	sadd.s32 @!p0 s3, s7;
	s7 =	simm.s32 @!p0 $0x108  }
0x21: {  	s3 =	sadd.s32 s3, s9;
	s6 =	sadd.s32 @!p0 $0x88, s6;
	s7 =	simm.s32 @p2 $0x1082  }
0x22: {  	[simem:s7], [sflag:s8] =	dma.local @!p0 [hbm:s6], $0xF7A  }
0x23: {  	s9 =	sor.u32 $0xD0000000, s2;
	s6 =	simm.s32 $0x108;
	_ =	swait.ge @!p0 [sflag:s8], $0x0  }
0x24: {  	s3 =	sadd.s32 $0x88, s3;
	s6 =	simm.s32 @!p1 $0x1082;
	[sflag:s4] =	ssyncset.s32 $0xFFFFF086  }
0x25: {  	[simem:s6], [sflag:s4] =	dma.local [hbm:s3], $0xF7A  }
0x26: {  	[smem:$0x3F9E] =	sst s1;
	(tag) =	ssettag s2;
	_ =	strace s9  }
0x27: {  	s1 =	sld [smem:$0x3FAE]  }
0x28: {  	s2 =	sld [smem:$0x3FAF]  }
0x29: {  	s4 =	sld [smem:$0x3FB1]  }
0x2a: {  	p0 =	seq.s32 s5, $0x0;
	s5 =	sld [smem:$0x3FB2]  }
0x2b: {  	s6 =	sld [smem:$0x3FB3]  }
0x2c: {  	s7 =	sld [smem:$0x3FB4]  }
0x2d: {  	s3 =	simm.s32 $0x108;
	s8 =	sld [smem:$0x3FB5]  }
0x2e: {  	s3 =	simm.s32 @!p0 $0x1082;
	s9 =	sld [smem:$0x3FB6]  }
0x2f: {  	lr =	sadd.s32 s0, s3;
	s0 =	sld [smem:$0x3FAD]  }
0x30: {  	s3 =	sld [smem:$0x3FB0]  }
0x31: {  	[smem:$0x3FB9] =	sst s10  }
0x32: {  	s10 =	sld [smem:$0x3FB7];
	_ =	sdelay $0x3  }
0x33: {  	p0 =	seq.s32 s10, $0x1;
	s10 =	sld [smem:$0x3FB9];
	_ =	sdelay $0x3  }
0x34: {  	[smem:$0x3FB9] =	sst s10  }
0x35: {  	s10 =	sld [smem:$0x3FB8];
	_ =	sdelay $0x3  }
0x36: {  	p1 =	seq.s32 s10, $0x1;
	s10 =	sld [smem:$0x3FB9];
	_ =	sdelay $0x3  }
0x37: {  	[smem:$0x3FB9] =	sst s10  }
0x38: {  	s10 =	sld [smem:$0x3FBA]  }
0x39: {  	_ = 	snop;
	(pc) =	sbr.ind lr, $3  }
0x3a: {  	_ = 	snop  }
0x3b: {  	_ = 	snop  }
0x3c: {  	p2 =	seq.s32 s10, $0x1;
	s10 =	sld [smem:$0x3FB9]  }
0x3d: {  	_ =	shalt  }
0x3e: {  	_ =	shalt  }
0x3f: {  	_ =	shalt  }
0x40: {  	_ =	shalt  }
0x41: {  	_ =	shalt  }
0x42: {  	_ =	shalt  }
0x43: {  	_ =	shalt  }
0x44: {  	_ =	shalt  }
0x45: {  	_ =	shalt  }
0x46: {  	_ =	shalt  }
0x47: {  	_ =	shalt  }
0x48: {  	_ =	shalt  }
0x49: {  	_ =	shalt  }
0x4a: {  	_ =	shalt  }
0x4b: {  	_ =	shalt  }
0x4c: {  	_ =	shalt  }
0x4d: {  	_ =	shalt  }
0x4e: {  	_ =	shalt  }
0x4f: {  	_ =	shalt  }
0x50: {  	_ =	shalt  }
0x51: {  	_ =	shalt  }
0x52: {  	_ =	shalt  }
0x53: {  	_ =	shalt  }
0x54: {  	_ =	shalt  }
0x55: {  	_ =	shalt  }
0x56: {  	_ =	shalt  }
0x57: {  	_ =	shalt  }
0x58: {  	_ =	shalt  }
0x59: {  	_ =	shalt  }
0x5a: {  	_ =	shalt  }
0x5b: {  	_ =	shalt  }
0x5c: {  	_ =	shalt  }
0x5d: {  	_ =	shalt  }
0x5e: {  	_ =	shalt  }
0x5f: {  	_ =	shalt  }
0x60: {  	_ =	shalt  }
0x61: {  	_ =	shalt  }
0x62: {  	_ =	shalt  }
0x63: {  	_ =	shalt  }
0x64: {  	_ =	shalt  }
0x65: {  	_ =	shalt  }
0x66: {  	_ =	shalt  }
0x67: {  	_ =	shalt  }
0x68: {  	_ =	shalt  }
0x69: {  	_ =	shalt  }
0x6a: {  	_ =	shalt  }
0x6b: {  	_ =	shalt  }
0x6c: {  	_ =	shalt  }
0x6d: {  	_ =	shalt  }
0x6e: {  	_ =	shalt  }
0x6f: {  	_ =	shalt  }
0x70: {  	_ =	shalt  }
0x71: {  	_ =	shalt  }
0x72: {  	_ =	shalt  }
0x73: {  	_ =	shalt  }
0x74: {  	_ =	shalt  }
0x75: {  	_ =	shalt  }
0x76: {  	_ =	shalt  }
0x77: {  	_ =	shalt  }
0x78: {  	_ =	shalt  }
0x79: {  	_ =	shalt  }
0x7a: {  	_ =	shalt  }
0x7b: {  	_ =	shalt  }
0x7c: {  	_ =	shalt  }
0x7d: {  	_ =	shalt  }
0x7e: {  	_ =	shalt  }
0x7f: {  	_ =	shalt  }
0x80: {  	_ =	shalt  }
0x81: {  	_ =	shalt  }
0x82: {  	_ =	shalt  }
0x83: {  	_ =	shalt  }
0x84: {  	_ =	shalt  }
0x85: {  	_ =	shalt  }
0x86: {  	_ =	shalt  }
0x87: {  	_ =	shalt  }
.Lfunc_end0:
.L_simem_size_0:
called_computation_lowered:
.L_overlay_start_0:
0x88: {  	s2 =	sld [smem:$0x3FD9]  }
0x89: {  	s3 =	sld [smem:$0x3FFE];
	_ =	sdelay $0x1  }
0x8a: {  	s1 =	srdreg.scid  }
0x8b: {  	s0 =	sand.u32 $0x1, s1  }
0x8c: {  	s17 =	sshll.u32 s0, $0xA;
	s2 =	sadd.s32 s3, s2  }
0x8d: {  	s2 =	sadd.s32 s2, s17  }
0x8e: {  	[smem:$0x3FC5] =	sst s2  }
0x8f: {  	_ = 	snop  }
0x90: {  	s2 =	sld [smem:$0x3FD0];
	(tm) =	ssettm $0x1  }
0x91: {  	s18 =	sld [smem:$0x3FFB];
	_ =	sdelay $0x3  }
0x92: {  	_ =	strace s18  }
0x93: {  	s3 =	sld [smem:$0x3FFC];
	_ =	sdelay $0x3  }
0x94: {  	_ =	strace s3  }
0x95: {  	s3 =	sld [smem:$0x3FFD];
	_ =	sdelay $0x3  }
0x96: {  	_ =	strace s3  }
0x97: {  	_ =	strace $0x8FFFFFFF  }
0x98: {  	s19 =	sld [smem:$0x3FDB];
	_ =	sdelay $0x1  }
0x99: {  	s4 =	simm.s32 $_scs_section_size  }
0x9a: {  	s5 =	simm.s32 $_size__tile_overlayer_lowered;
	s6 =	simm.s32 $_tile_overlayer_lowered  }
0x9b: {  	s22 =	simm.s32 $0x1BFF;
	s21 =	sshll.u32 s6, $0x1;
	s3 =	sadd.s32 s4, s19  }
0x9c: {  	s7 =	simm.s32 $0x0;
	s20 =	sshll.u32 s5, $0x1;
	s5 =	sadd.s32 s21, s3  }
0x9d: {  	[timem:s7], [sflag:s22] =	dma.local [hbm:s5], s20  }
0x9e: {  	_ =	swait.ge [sflag:s22], s20  }
0x9f: {  	s4 =	ssub.s32 $0x0, s20;
	[sflag:s22] =	ssyncset.done $0x0  }
0xa0: {  	[sflag:s22] =	ssyncadd.s32 s4;
	_ =	sdelay $0x1  }
0xa1: {  	s23 =	simm.s32 $0x1B8B  }
0xa2: {  	_ =	swait.ge [sflag:s23], $0x1  }
0xa3: {  	[sflag:s23] =	ssyncset.done $0x0  }
0xa4: {  	s25 =	simm.s32 $0x1B8E;
	s24 =	sld [smem:$0x3FFE];
	[sflag:s23] =	ssyncadd.s32 $0xFFFFFFFF  }
0xa5: {  	s26 =	simm.s32 $execute0_lowered;
	[smem:$0x3FD2] =	sst s25  }
0xa6: {  	s5 =	sshll.u32 s26, $0x1;
	_ =	strace $0x80000046;
	[dreg:$0x1] =	wrdreg $0xFFFFFFFF  }
0xa7: {  	s28 =	simm.s32 $_size_execute0_lowered;
	s3 =	sadd.s32 s3, s5;
	[dreg:$0x0] =	wrdreg $0x0  }
0xa8: {  	s5 =	sshll.u32 s28, $0x1;
	[dreg:$0x2] =	wrdreg s3  }
0xa9: {  	[dreg:$0x3] =	wrdreg s5  }
0xaa: {  	[dreg:$0x4] =	wrdreg $0xC0  }
0xab: {  	_ =	task [dreg:s7], $0x5FFFF  }
0xac: {  	[dreg:$0x1] =	wrdreg $0xFFFFFFFF  }
0xad: {  	[dreg:$0x0] =	wrdreg $0x60  }
0xae: {  	[dreg:$0x2] =	wrdreg s2  }
0xaf: {  	[dreg:$0x3] =	wrdreg s24  }
0xb0: {  	[dreg:$0x4] =	wrdreg $0x9  }
0xb1: {  	_ =	task.clear_ibuf [dreg:s7], $0x5FFFF;
	_ =	strace $0x90000046  }
0xb2: {  	s29 =	simm.s32 $0x9;
	_ =	strace $0x80000048  }
0xb3: {  	_ =	swait.ge [sflag:s29], $0x1  }
0xb4: {  	[sflag:s29] =	ssyncadd.s32 $0xFFFFFFFF  }
0xb5: {  	_ =	strace $0x90000048  }
0xb6: {  	_ =	sfence  }
0xb7: {  	s30 =	sld [smem:$0x0];
	_ =	sdelay $0x2  }
0xb8: {  	s31 =	sshll.u32 s1, $0xD;
	s1 =	sshrl.u32 s1, $0x2  }
0xb9: {  	s3 =	sand.u32 $0x4000, s31;
	s1 =	sadd.s32 s1, s30  }
0xba: {  	s0 =	sor.u32 s3, s0;
	s1 =	sshll.u32 s1, $0x11  }
0xbb: {  	s0 =	sor.u32 s1, s0  }
0xbc: {  	s0 =	sadd.s32 $0x8F2B, s0  }
0xbd: {  	[sflag:s0] =	ssyncadd.remote.s32 $0x1  }
0xbe: {  	_ =	sfence.sel $0xFFFF  }
0xbf: {  	[dreg:$0x0] =	wrdreg $0xFFFFFFFF;
	(pc) =	sbr.abs _section_cstart, $3  }
0xc0: {  	[dreg:$0x1] =	wrdreg $0xFFFFFFFF  }
0xc1: {  	_ =	task.clear_ibuf [dreg:s7], $0x2FFFF;
	_ =	strace $0x9FFFFFFF  }
0xc2: {  	(tm) =	ssettm $0x7FFFFFFF  }
0xc3: {  	_ =	shalt  }
tec
execute0_lowered:
.L_overlay_start_1:
0x0: {  	(tag) =	ssettag $0x1  }
0x1: {  	s2 =	rddreg [dreg:$0x0]  }
0x2: {  	s6 =	rddreg [dreg:$0x1]  }
0x3: {  	s0 =	rddreg [dreg:$0x2]  }
0x4: {  	s4 =	srdreg.scid;
	s1 =	stileid.u32;
	s3 =	simm.s32 $0x0  }
0x5: {  	s12 =	simm.s32 $0x200;
	s13 =	simm.s32 $0x4;
	s14 =	simm.s32 $0xC8  }
0x6: {  	s15 =	simm.s32 $0x6600;
	s16 =	simm.s32 $0x2;
	s17 =	simm.s32 $0x3  }
0x7: {  	s18 =	simm.s32 $0x0;
	s7 =	sand.u32 $0x1, s4;
	s31 =	sshll.u32 s1, $0x1  }
0x8: {  	[smem:$0x7FF] =	sst s3;
	s4 =	sadd.s32 $0xF43C00, s6;
	s8 =	sor.u32 s7, s31  }
0x9: {  	s5 =	sadd.s32 $0xF42C00, s6;
	s10 =	ssub.s32 $0x2, s7;
	s9 =	smul.u32 $0x320, s8  }
0xa: {  	s6 =	sadd.s32 $0x800, s6;
	_ =	strace $0x80000047;
	s11 =	sshrl.u32 s10, $0x1  }
0xb: {  	s8 =	sshll.u32 s8, $0x5;
	s11 =	ssub.s32 s10, s11;
	s7 =	sadd.s32 s2, s9  }
0xc: {  	s10 =	sor.u32 $0x2, s8;
	s11 =	smax.u32 s11, $0x1;
	s9 =	sadd.s32 $0x19, s7  }
.LBB2_1:
0xd: {  	[tilespmem:s12], [sflag:$0x4] =	stream.linear.gather [hbm4b:s5+s3], $0x6400, $0x38;
	[tilespmem:$0x1F600] =	vst v63  }
0xe: {  	_ =	swait.ge [sflag:s13], $0x6400  }
0xf: {  	[sflag:s13] =	ssyncset.done $0x0  }
0x10: {  	[sflag:s13] =	ssyncadd.s32 $0xFFFF9C00  }
0x11: {  	[tilespmem:s3], [sflag:$0x4] =	stream.linear.gather [hbm4b:s7+s3], $0xC8, $0x38;
	[tilespmem:$0x1F600] =	vst v63  }
0x12: {  	_ =	swait.ge [sflag:s13], $0xC8  }
0x13: {  	[sflag:s13] =	ssyncset.done $0x0  }
0x14: {  	[sflag:s13] =	ssyncadd.s32 $0xFFFFFF38  }
0x15: {  	[tilespmem:s15], [sflag:$0x2] =	stream.indirect.gather [hbm4b:s4+s14], $0x80, s3, s14, $0xb8;
	[tilespmem:$0x1F600] =	vst v63  }
0x16: {  	p0 =	por $0x0, $0x0;
	s19 =	simm.s32 $0x0  }
0x17: {  	[tilespmem:s14], [sflag:$0x1] =	stream.linear.gather [hbm4b:s9+s3], $0xC8, $0x38;
	[tilespmem:$0x1F600] =	vst v63  }
.LBB2_2:
0x18: {  	_ =	swait.ge [sflag:s16], $0x6400;
	p1 =	seq.s32 s19, $0x1F;
	s22 =	sand.u32 $0x1, s19  }
0x19: {  	[sflag:s16] =	ssyncset.done $0x0;
	s20 =	simm.s32 @!p1 $0x1;
	s21 =	sxor.u32 @!p1 $0x1, s22  }
0x1a: {  	p2 =	sgt.u32 @!p1 s19, $0x1D;
	s25 =	simm.s32 @!p1 $0xC8;
	[sflag:s16] =	ssyncadd.s32 $0xFFFF9C00  }
0x1b: {  	s23 =	smul.u32 @!p1 $0x19000, s21;
	p2 =	por p1, p2;
	_ =	swait.ge @!p1 [sflag:s20], $0xC8  }
0x1c: {  	s21 =	smul.u32 @!p1 $0x320, s21;
	s24 =	sadd.s32 @!p2 s19, s10;
	[sflag:s20] =	ssyncset.done @!p1 $0x0  }
0x1d: {  	s24 =	smul.u32 @!p2 $0x19, s24;
	[sflag:s20] =	ssyncadd.s32 @!p1 $0xFFFFFF38;
	s20 =	sshrl.u32 @!p1 s23, $0x2  }
0x1e: {  	s21 =	sshrl.u32 @!p1 s21, $0x2;
	s23 =	smul.u32 @!p2 $0x320, s22;
	s20 =	sadd.s32 @!p1 $0x6600, s20  }
0x1f: {  	[tilespmem:s20], [sflag:$0x2] =	stream.indirect.gather @!p1 [hbm4b:s4+s25], $0x80, s21, s25, $0xb8;
	[tilespmem:$0x1F600] =	vst v63  }
0x20: {  	s20 =	sshrl.u32 @!p2 s23, $0x2;
	p1 =	slt.u32 @!p2 s19, $0x2  }
0x21: {  	s21 =	sadd.s32 @!p2 s2, s24;
	s23 =	simm.s32 @!p2 $0x0;
	p1 =	por p2, !p1  }
0x22: {  	[tilespmem:s20], [sflag:$0x1] =	stream.linear.gather @!p2 [hbm4b:s21+s23], $0xC8, $0x38;
	[tilespmem:$0x1F600] =	vst v63  }
0x23: {  	_ =	swait.ge @p1 [sflag:s17], $0x6400  }
0x24: {  	[sflag:s17] =	ssyncset.done @p1 $0x0  }
0x25: {  	s21 =	simm.s32 $0x400;
	[sflag:s17] =	ssyncadd.s32 @p1 $0xFFFF9C00  }
0x26: {  	s20 =	simm.s32 $0x1;
	v1 =	vld [tilespmem:s21+$0x180]  }
0x27: {  	s20 =	simm.s32 @!p0 $0x0;
	v2 =	vld [tilespmem:s21+$0xFFFFFE00]  }
0x28: {  	s20 =	smul.u32 $0x19000, s20;
	v4 =	vld [tilespmem:s21+$0xFFFFFE80]  }
0x29: {  	v6 =	vld [tilespmem:s21+$0xFFFFFF00]  }
0x2a: {  	s20 =	sshrl.u32 s20, $0x2;
	v7 =	vld [tilespmem:s21+$0xFFFFFF80]  }
0x2b: {  	v10 =	vld [tilespmem:s21+$0x0];
	s30 =	sadd.s32 $0x6800, s20  }
0x2c: {  	v0 =	vld [tilespmem:s30+$0x180]  }
0x2d: {  	v12 =	vld [tilespmem:s21+$0x80]  }
0x2e: {  	v3 =	vld [tilespmem:s30+$0xFFFFFE80]  }
0x2f: {  	v5 =	vld [tilespmem:s30+$0xFFFFFF00]  }
0x30: {  	v9 =	vld [tilespmem:s30+$0x0]  }
0x31: {  	v11 =	vld [tilespmem:s30+$0x80];
	v0 =	vadd.f32 v1, v0  }
0x32: {  	s20 =	sadd.s32 $0x13000, s20;
	v1 =	vld [tilespmem:s30+$0xFFFFFF80]  }
0x33: {  	v3 =	vadd.f32 v4, v3;
	v4 =	vld [tilespmem:s30+$0xFFFFFE00];
	[tilespmem:s20+$0x180] =	vst v0  }
0x34: {  	v0 =	vld [tilespmem:s30+$0x190]  }
0x35: {  	v8 =	vld [tilespmem:s21+$0x190]  }
0x36: {  	v13 =	vld [tilespmem:s30+$0x100];
	[tilespmem:s20+$0xFFFFFE80] =	vst v3;
	v3 =	vadd.f32 v6, v5  }
0x37: {  	v6 =	vld [tilespmem:s30+$0xFFFFFE90]  }
0x38: {  	[tilespmem:s20+$0xFFFFFF00] =	vst v3;
	v3 =	vld [tilespmem:s21+$0xFFFFFE90];
	v1 =	vadd.f32 v7, v1  }
0x39: {  	v2 =	vadd.f32 v2, v4;
	v4 =	vld [tilespmem:s30+$0xFFFFFF10]  }
0x3a: {  	[tilespmem:s20+$0xFFFFFF80] =	vst v1;
	v1 =	vld [tilespmem:s21+$0xFFFFFF10];
	v0 =	vadd.f32 v8, v0  }
0x3b: {  	[tilespmem:s20+$0xFFFFFE00] =	vst v2;
	v2 =	vld [tilespmem:s30+$0xFFFFFF90]  }
0x3c: {  	v54 =	vld [tilespmem:s21+$0xFFFFFF90];
	[tilespmem:s20+$0x190] =	vst v0  }
0x3d: {  	v3 =	vadd.f32 v3, v6;
	v0 =	vld [tilespmem:s30+$0x1A0]  }
0x3e: {  	v5 =	vld [tilespmem:s21+$0x1A0]  }
0x3f: {  	v8 =	vld [tilespmem:s21+$0x100];
	[tilespmem:s20+$0xFFFFFE90] =	vst v3;
	v1 =	vadd.f32 v1, v4  }
0x40: {  	v4 =	vld [tilespmem:s30+$0xFFFFFEA0]  }
0x41: {  	[tilespmem:s20+$0xFFFFFF10] =	vst v1;
	v1 =	vadd.f32 v54, v2;
	v2 =	vld [tilespmem:s21+$0xFFFFFEA0]  }
0x42: {  	v7 =	vld [tilespmem:s21+$0xFFFFFE10]  }
0x43: {  	v57 =	vld [tilespmem:s30+$0xFFFFFF20];
	v0 =	vadd.f32 v5, v0  }
0x44: {  	v5 =	vld [tilespmem:s30+$0xFFFFFE10];
	[tilespmem:s20+$0xFFFFFF90] =	vst v1  }
0x45: {  	v58 =	vld [tilespmem:s30+$0xFFFFFFA0];
	[tilespmem:s20+$0x1A0] =	vst v0;
	v0 =	vadd.f32 v10, v9  }
0x46: {  	v52 =	vld [tilespmem:s30+$0x1B0];
	v2 =	vadd.f32 v2, v4  }
0x47: {  	v53 =	vld [tilespmem:s21+$0x1B0];
	[tilespmem:s20+$0x0] =	vst v0;
	v0 =	vadd.f32 v12, v11  }
0x48: {  	v55 =	vld [tilespmem:s30+$0x10];
	[tilespmem:s20+$0xFFFFFEA0] =	vst v2  }
0x49: {  	[tilespmem:s20+$0x80] =	vst v0;
	v0 =	vadd.f32 v8, v13;
	v8 =	vld [tilespmem:s21+$0x10]  }
0x4a: {  	v60 =	vld [tilespmem:s30+$0xFFFFFEB0]  }
0x4b: {  	v56 =	vld [tilespmem:s30+$0x90]  }
0x4c: {  	[tilespmem:s20+$0x100] =	vst v0;
	v0 =	vadd.f32 v7, v5;
	v5 =	vld [tilespmem:s21+$0x90]  }
0x4d: {  	v7 =	vld [tilespmem:s30+$0x110]  }
0x4e: {  	[tilespmem:s20+$0xFFFFFE10] =	vst v0;
	v0 =	vld [tilespmem:s21+$0x110]  }
0x4f: {  	v6 =	vld [tilespmem:s30+$0xFFFFFE20]  }
0x50: {  	v3 =	vld [tilespmem:s21+$0xFFFFFE20];
	v1 =	vadd.f32 v8, v55  }
0x51: {  	v8 =	vld [tilespmem:s21+$0xFFFFFF20]  }
0x52: {  	[tilespmem:s20+$0x10] =	vst v1;
	v1 =	vadd.f32 v5, v56;
	v5 =	vld [tilespmem:s21+$0xFFFFFFA0]  }
0x53: {  	v59 =	vld [tilespmem:s30+$0x20]  }
0x54: {  	[tilespmem:s20+$0x90] =	vst v1;
	v0 =	vadd.f32 v0, v7;
	v1 =	vld [tilespmem:s21+$0x20]  }
0x55: {  	v7 =	vld [tilespmem:s30+$0xA0]  }
0x56: {  	v3 =	vadd.f32 v3, v6;
	[tilespmem:s20+$0x110] =	vst v0;
	v0 =	vld [tilespmem:s21+$0xA0]  }
0x57: {  	v2 =	vadd.f32 v8, v57;
	v6 =	vld [tilespmem:s30+$0x120]  }
0x58: {  	[tilespmem:s20+$0xFFFFFE20] =	vst v3;
	v3 =	vld [tilespmem:s21+$0x120]  }
0x59: {  	[tilespmem:s20+$0xFFFFFF20] =	vst v2;
	v2 =	vadd.f32 v5, v58;
	v5 =	vld [tilespmem:s21+$0xFFFFFEB0]  }
0x5a: {  	v4 =	vld [tilespmem:s30+$0xFFFFFE30]  }
0x5b: {  	v8 =	vld [tilespmem:s21+$0xFFFFFE30]  }
0x5c: {  	v61 =	vld [tilespmem:s30+$0xFFFFFF30]  }
0x5d: {  	v62 =	vld [tilespmem:s21+$0xFFFFFF30];
	[tilespmem:s20+$0xFFFFFFA0] =	vst v2;
	v1 =	vadd.f32 v1, v59  }
0x5e: {  	v2 =	vadd.f32 v53, v52;
	v63 =	vld [tilespmem:s30+$0xFFFFFFB0]  }
0x5f: {  	[tilespmem:s20+$0x20] =	vst v1;
	v1 =	vadd.f32 v0, v7;
	v7 =	vld [tilespmem:s21+$0xFFFFFFB0]  }
0x60: {  	[tilespmem:s20+$0x1B0] =	vst v2;
	v3 =	vadd.f32 v3, v6;
	v0 =	vld [tilespmem:s30+$0x30]  }
0x61: {  	v2 =	vld [tilespmem:s21+$0x30];
	[tilespmem:s20+$0xA0] =	vst v1;
	v4 =	vadd.f32 v8, v4  }
0x62: {  	[tilespmem:s20+$0x120] =	vst v3;
	v3 =	vadd.f32 v5, v60;
	v1 =	vld [tilespmem:s30+$0xB0]  }
0x63: {  	s31 =	smul.u32 $0x6400, s22;
	v5 =	vadd.f32 v62, v61;
	[tilespmem:s20+$0xFFFFFE30] =	vst v4;
	v4 =	vld [tilespmem:s21+$0xB0]  }
0x64: {  	s22 =	sadd.s32 $0x1, s19;
	[tilespmem:s20+$0xFFFFFEB0] =	vst v3;
	v3 =	vld [tilespmem:s30+$0x130];
	v6 =	vadd.f32 v7, v63  }
0x65: {  	s24 =	simm.s32 $0x0;
	s23 =	sadd.s32 $0x12E00, s31;
	s25 =	sadd.s32 $0x400, s30;
	[tilespmem:s20+$0xFFFFFF30] =	vst v5;
	v5 =	vld [tilespmem:s21+$0x130]  }
.LBB2_3:
0x66: {  	v7 =	vld [tilespmem:s25+$0x180];
	[tilespmem:s20+$0xFFFFFFB0] =	vst v6;
	v0 =	vadd.f32 v2, v0;
	s21 =	sadd.s32 $0x400, s21  }
0x67: {  	v2 =	vld [tilespmem:s21+$0x180]  }
0x68: {  	v6 =	vld [tilespmem:s21+$0xFFFFFE00];
	[tilespmem:s20+$0x30] =	vst v0;
	v0 =	vadd.f32 v4, v1  }
0x69: {  	v1 =	vld [tilespmem:s25+$0xFFFFFE80]  }
0x6a: {  	s24 =	sadd.s32 $0x8, s24;
	v4 =	vld [tilespmem:s21+$0xFFFFFE80];
	[tilespmem:s20+$0xB0] =	vst v0;
	v0 =	vadd.f32 v5, v3  }
0x6b: {  	p1 =	slt.u32 s24, $0xC0;
	v3 =	vld [tilespmem:s25+$0xFFFFFF00]  }
0x6c: {  	v5 =	vld [tilespmem:s21+$0xFFFFFF00];
	v2 =	vadd.f32 v2, v7;
	[tilespmem:s20+$0x130] =	vst v0  }
0x6d: {  	s20 =	sadd.s32 $0x400, s20;
	v0 =	vld [tilespmem:s25+$0xFFFFFF80]  }
0x6e: {  	v7 =	vld [tilespmem:s21+$0xFFFFFF80];
	[tilespmem:s20+$0x180] =	vst v2  }
0x6f: {  	v1 =	vadd.f32 v4, v1;
	v2 =	vld [tilespmem:s25+$0x190]  }
0x70: {  	v4 =	vld [tilespmem:s21+$0x190]  }
0x71: {  	[tilespmem:s20+$0xFFFFFE80] =	vst v1;
	v1 =	vadd.f32 v5, v3;
	v3 =	vld [tilespmem:s25+$0x0]  }
0x72: {  	v5 =	vld [tilespmem:s21+$0x0]  }
0x73: {  	[tilespmem:s20+$0xFFFFFF00] =	vst v1;
	v0 =	vadd.f32 v7, v0;
	v1 =	vld [tilespmem:s25+$0x80]  }
0x74: {  	v7 =	vld [tilespmem:s21+$0x80]  }
0x75: {  	[tilespmem:s20+$0xFFFFFF80] =	vst v0;
	v0 =	vld [tilespmem:s25+$0x100];
	v2 =	vadd.f32 v4, v2  }
0x76: {  	v4 =	vld [tilespmem:s21+$0x100]  }
0x77: {  	v8 =	vld [tilespmem:s25+$0xFFFFFE00];
	v3 =	vadd.f32 v5, v3;
	[tilespmem:s20+$0x190] =	vst v2  }
0x78: {  	v2 =	vld [tilespmem:s25+$0x1A0]  }
0x79: {  	[tilespmem:s20+$0x0] =	vst v3;
	v1 =	vadd.f32 v7, v1;
	v3 =	vld [tilespmem:s21+$0x1A0]  }
0x7a: {  	v5 =	vld [tilespmem:s25+$0xFFFFFE90]  }
0x7b: {  	v7 =	vld [tilespmem:s21+$0xFFFFFE90];
	[tilespmem:s20+$0x80] =	vst v1;
	v0 =	vadd.f32 v4, v0  }
0x7c: {  	v1 =	vadd.f32 v6, v8;
	v4 =	vld [tilespmem:s25+$0xFFFFFF10]  }
0x7d: {  	v6 =	vld [tilespmem:s21+$0xFFFFFF10];
	[tilespmem:s20+$0x100] =	vst v0  }
0x7e: {  	[tilespmem:s20+$0xFFFFFE00] =	vst v1;
	v0 =	vld [tilespmem:s25+$0xFFFFFF90];
	v1 =	vadd.f32 v3, v2  }
0x7f: {  	v2 =	vld [tilespmem:s25+$0xFFFFFE10]  }
0x80: {  	v3 =	vld [tilespmem:s21+$0xFFFFFE10];
	v5 =	vadd.f32 v7, v5;
	[tilespmem:s20+$0x1A0] =	vst v1  }
0x81: {  	v1 =	vld [tilespmem:s25+$0x1B0]  }
0x82: {  	[tilespmem:s20+$0xFFFFFE90] =	vst v5;
	v4 =	vadd.f32 v6, v4;
	v5 =	vld [tilespmem:s21+$0x1B0]  }
0x83: {  	v6 =	vld [tilespmem:s21+$0xFFFFFF90]  }
0x84: {  	[tilespmem:s20+$0xFFFFFF10] =	vst v4;
	v4 =	vld [tilespmem:s25+$0x10]  }
0x85: {  	v2 =	vadd.f32 v3, v2;
	v3 =	vld [tilespmem:s21+$0x10]  }
0x86: {  	v7 =	vld [tilespmem:s25+$0x90]  }
0x87: {  	[tilespmem:s20+$0xFFFFFE10] =	vst v2;
	v2 =	vld [tilespmem:s21+$0x90];
	v1 =	vadd.f32 v5, v1  }
0x88: {  	v0 =	vadd.f32 v6, v0;
	v5 =	vld [tilespmem:s25+$0x110]  }
0x89: {  	v6 =	vld [tilespmem:s21+$0x110];
	[tilespmem:s20+$0x1B0] =	vst v1  }
0x8a: {  	v1 =	vld [tilespmem:s25+$0xFFFFFE20];
	[tilespmem:s20+$0xFFFFFF90] =	vst v0;
	v0 =	vadd.f32 v3, v4  }
0x8b: {  	v3 =	vld [tilespmem:s21+$0xFFFFFE20]  }
0x8c: {  	v4 =	vld [tilespmem:s25+$0xFFFFFEA0];
	[tilespmem:s20+$0x10] =	vst v0;
	v0 =	vadd.f32 v2, v7  }
0x8d: {  	v2 =	vld [tilespmem:s21+$0xFFFFFEA0]  }
0x8e: {  	v7 =	vld [tilespmem:s25+$0xFFFFFF20];
	[tilespmem:s20+$0x90] =	vst v0;
	v0 =	vadd.f32 v6, v5  }
0x8f: {  	v5 =	vld [tilespmem:s21+$0xFFFFFF20]  }
0x90: {  	v1 =	vadd.f32 v3, v1;
	v3 =	vld [tilespmem:s25+$0xFFFFFFA0];
	[tilespmem:s20+$0x110] =	vst v0  }
0x91: {  	v0 =	vld [tilespmem:s21+$0xFFFFFFA0]  }
0x92: {  	[tilespmem:s20+$0xFFFFFE20] =	vst v1;
	v1 =	vadd.f32 v2, v4;
	v2 =	vld [tilespmem:s25+$0x20]  }
0x93: {  	v4 =	vld [tilespmem:s21+$0x20]  }
0x94: {  	[tilespmem:s20+$0xFFFFFEA0] =	vst v1;
	v1 =	vadd.f32 v5, v7;
	v5 =	vld [tilespmem:s25+$0xA0]  }
0x95: {  	v6 =	vld [tilespmem:s21+$0xA0]  }
0x96: {  	[tilespmem:s20+$0xFFFFFF20] =	vst v1;
	v0 =	vadd.f32 v0, v3;
	v1 =	vld [tilespmem:s25+$0x120]  }
0x97: {  	v3 =	vld [tilespmem:s21+$0x120]  }
0x98: {  	v7 =	vld [tilespmem:s25+$0xFFFFFE30];
	[tilespmem:s20+$0xFFFFFFA0] =	vst v0;
	v0 =	vadd.f32 v4, v2  }
0x99: {  	v2 =	vld [tilespmem:s21+$0xFFFFFE30]  }
0x9a: {  	v4 =	vld [tilespmem:s25+$0xFFFFFEB0];
	[tilespmem:s20+$0x20] =	vst v0;
	v0 =	vadd.f32 v6, v5  }
0x9b: {  	v5 =	vld [tilespmem:s21+$0xFFFFFEB0]  }
0x9c: {  	v6 =	vld [tilespmem:s25+$0xFFFFFF30];
	[tilespmem:s20+$0xA0] =	vst v0;
	v0 =	vadd.f32 v3, v1  }
0x9d: {  	v1 =	vld [tilespmem:s21+$0xFFFFFF30]  }
0x9e: {  	v2 =	vadd.f32 v2, v7;
	v3 =	vld [tilespmem:s25+$0xFFFFFFB0];
	[tilespmem:s20+$0x120] =	vst v0  }
0x9f: {  	v7 =	vld [tilespmem:s21+$0xFFFFFFB0]  }
0xa0: {  	[tilespmem:s20+$0xFFFFFE30] =	vst v2;
	v4 =	vadd.f32 v5, v4;
	v0 =	vld [tilespmem:s25+$0x30]  }
.Ltmp0:
0xa1: {  	v2 =	vld [tilespmem:s21+$0x30];
	(pc) =	sbr.rel @p1 .LBB2_3-.Ltmp0, $4  }
0xa2: {  	[tilespmem:s20+$0xFFFFFEB0] =	vst v4;
	v5 =	vadd.f32 v1, v6;
	v1 =	vld [tilespmem:s25+$0xB0]  }
0xa3: {  	v4 =	vld [tilespmem:s21+$0xB0]  }
0xa4: {  	[tilespmem:s20+$0xFFFFFF30] =	vst v5;
	v6 =	vadd.f32 v7, v3;
	v3 =	vld [tilespmem:s25+$0x130]  }
0xa5: {  	s25 =	sadd.s32 $0x400, s25;
	v5 =	vld [tilespmem:s21+$0x130]  }
0xa6: {  	_ =	sdelay $0x1  }
0xa7: {  	v0 =	vadd.f32 v2, v0;
	s19 =	sadd.s32 s8, s19  }
0xa8: {  	[tilespmem:s20+$0xFFFFFFB0] =	vst v6;
	p1 =	sne.s32 s22, $0x20;
	s19 =	smul.u32 $0xC80, s19;
	v1 =	vadd.f32 v4, v1  }
.Ltmp1:
0xa9: {  	[tilespmem:s20+$0x30] =	vst v0;
	v63 =	vadd.f32 v5, v3;
	(pc) =	sbr.rel @p1 .LBB2_2-.Ltmp1, $4  }
0xaa: {  	[tilespmem:s20+$0xB0] =	vst v1  }
0xab: {  	s19 =	sadd.s32 s6, s19;
	[tilespmem:s20+$0x130] =	vst v63  }
0xac: {  	[hbm4b:s19+s3] =	stream.linear.scatter [tilespmem:s23], [sflag:$0x3], $0x6400, $0x38;
	[tilespmem:$0x1F600] =	vst v63  }
0xad: {  	p0 =	por !p0, !p0;
	s19 =	smov.u32 s22  }
0xae: {  	s18 =	sadd.s32 $0x1, s18  }
0xaf: {  	_ =	swait.ge [sflag:s17], $0x6400;
	p0 =	sne.s32 s18, s11  }
.Ltmp2:
0xb0: {  	[sflag:s17] =	ssyncset.done $0x0;
	(pc) =	sbr.rel @p0 .LBB2_1-.Ltmp2, $4  }
0xb1: {  	[sflag:s17] =	ssyncadd.s32 $0xFFFF9C00  }
0xb2: {  	_ =	swait.ge [sflag:s17], $0x6400  }
0xb3: {  	[sflag:s17] =	ssyncset.done $0x0  }
0xb4: {  	[sflag:s17] =	ssyncadd.s32 $0xFFFF9C00  }
0xb5: {  	_ =	sfence.sel $0x180000  }
0xb6: {  	[bflag:$0x0] =	sbarrier.arrive $0xFFFF  }
0xb7: {  	p0 =	sne.s32 s1, $0x0;
	_ =	strace $0x90000047  }
0xb8: {  	s0 =	sadd.s32 @!p0 $0x100000, s0;
	[bflag:$0x2] =	sbarrier.arrive $0xFFFF  }
0xb9: {  	[sflag:s0] =	ssyncadd.tile.s32 @!p0 $0x1;
	_ =	shalt  }
.Lfunc_end2:
_tile_overlayer_lowered:
.L_overlay_start_2:
0xba: {  	(tag) =	ssettag $0x2  }
0xbb: {  	s0 =	rddreg [dreg:$0x0];
	s2 =	stileid.u32  }
0xbc: {  	s1 =	rddreg [dreg:$0x1];
	p0 =	sne.s32 s2, $0x0  }
0xbd: {  	s3 =	rddreg [dreg:$0x2];
	[bflag:$0x3] =	sbarrier.arrive $0xFFFF;
	s2 =	simm.s32 @!p0 $0x1C04  }
0xbe: {  	[timem:s3], [sflag:s2] =	dma.local @!p0 [hbm:s0], s1  }
0xbf: {  	s0 =	simm.s32 @!p0 $0x4  }
0xc0: {  	_ =	swait.ge @!p0 [sflag:s0], s1  }
0xc1: {  	s1 =	ssub.s32 @!p0 $0x0, s1;
	[sflag:s0] =	ssyncset.done @!p0 $0x0  }
0xc2: {  	[sflag:s0] =	ssyncadd.s32 @!p0 s1  }
0xc3: {  	[bflag:$0x3] =	sbarrier.arrive $0xFFFF  }
0xc4: {  	_ =	shalt  }

</sc_bundles>
